<compile_context>
chip_gen: v7x
topology: tpu7x:2x2x1
jax: 0.10.2.dev20260603
libtpu: 0.0.44.dev20260713+nightly
codegen_flags: <defaults>
</compile_context>

<pallas_src>
import functools

import numpy as np

import jax
import jax.numpy as jnp
from jax import lax
from jax.experimental import pallas as pl
from jax.experimental.pallas import tpu as pltpu
from jax.experimental.pallas import tpu_sc as plsc

_N_TERMS = 64
_N_OUT = 4
_MASKS = [np.ones(_N_TERMS, dtype=bool) for _ in range(_N_OUT)]

_NUM_CORES = 2
_NUM_SUBCORES = 16
_NW = _NUM_CORES * _NUM_SUBCORES
_CHUNK = 384


def _sc_gather_t(thetas_t):
    w, n = thetas_t.shape
    n_chunks = n // _CHUNK
    mesh = plsc.VectorSubcoreMesh(core_axis_name="c", subcore_axis_name="s")

    @functools.partial(
        pl.kernel,
        out_type=jax.ShapeDtypeStruct((w, n), thetas_t.dtype),
        mesh=mesh,
        scratch_types=[
            pltpu.SemaphoreType.DMA,
            pltpu.SemaphoreType.DMA,
            pltpu.SemaphoreType.DMA,
            pltpu.SemaphoreType.DMA,
        ],
    )
    def k(x_hbm, o_hbm, si0, si1, so0, so1):
        wid = lax.axis_index("s") * _NUM_CORES + lax.axis_index("c")
        c0 = (wid * n_chunks) // _NW
        cnt = ((wid + 1) * n_chunks) // _NW - c0

        def cbase(j):
            return pl.multiple_of((c0 + j) * _CHUNK, 128)

        def start_in(j, buf, sem):
            pltpu.make_async_copy(
                x_hbm.at[:, pl.ds(cbase(j), _CHUNK)], buf, sem).start()

        def wait_in(buf, sem):
            pltpu.make_async_copy(
                x_hbm.at[:, pl.ds(0, _CHUNK)], buf, sem).wait()

        def start_out(j, buf, sem):
            pltpu.make_async_copy(
                buf, o_hbm.at[:, pl.ds(cbase(j), _CHUNK)], sem).start()

        def wait_out(buf, sem):
            pltpu.make_async_copy(
                buf, o_hbm.at[:, pl.ds(0, _CHUNK)], sem).wait()

        def inner(buf0, buf1):
            def body(t, carry):
                a = 2 * t
                b = a + 1

                @pl.when(jnp.logical_and(b < cnt, t >= 1))
                def _():
                    wait_out(buf1, so1)

                @pl.when(b < cnt)
                def _():
                    start_in(b, buf1, si1)

                wait_in(buf0, si0)
                start_out(a, buf0, so0)

                @pl.when(b < cnt)
                def _():
                    wait_in(buf1, si1)
                    start_out(b, buf1, so1)

                @pl.when(a + 2 < cnt)
                def _():
                    wait_out(buf0, so0)
                    start_in(a + 2, buf0, si0)

                return carry

            start_in(0, buf0, si0)
            lax.fori_loop(0, (cnt + 1) // 2, body, 0)
            wait_out(buf0, so0)
            wait_out(buf1, so1)

        pl.run_scoped(
            inner,
            pltpu.VMEM((w, _CHUNK), jnp.float32),
            pltpu.VMEM((w, _CHUNK), jnp.float32),
        )

    return k(thetas_t)


def _tail_kernel(prev_ref, x_ref, o_ref):
    del prev_ref
    o_ref[...] = x_ref[...]


def _masked_gather_t(thetas_t, rows):
    w, n = thetas_t.shape
    assert np.array_equal(rows, np.arange(w))
    main = _sc_gather_t(thetas_t)
    covered = (n // _CHUNK) * _CHUNK
    if covered == n:
        return main
    tb = covered // 128
    nblk = -(-(n - covered) // 128)
    return pl.pallas_call(
        _tail_kernel,
        grid=(nblk,),
        in_specs=[
            pl.BlockSpec(memory_space=pl.ANY),
            pl.BlockSpec((w, 128), lambda i: (0, tb + i)),
        ],
        out_specs=pl.BlockSpec((w, 128), lambda i: (0, tb + i)),
        out_shape=jax.ShapeDtypeStruct((w, n), thetas_t.dtype),
        input_output_aliases={0: 0},
    )(main, thetas_t)


_COL_BLOCK = 32768


def _tc_copy_kernel(x_ref, o_ref):
    o_ref[...] = x_ref[...]


def _tc_gather_t(thetas_t):
    w, n = thetas_t.shape
    grid = (n + _COL_BLOCK - 1) // _COL_BLOCK
    return pl.pallas_call(
        _tc_copy_kernel,
        grid=(grid,),
        in_specs=[pl.BlockSpec((w, _COL_BLOCK), lambda i: (0, i))],
        out_specs=pl.BlockSpec((w, _COL_BLOCK), lambda i: (0, i)),
        out_shape=jax.ShapeDtypeStruct((w, n), thetas_t.dtype),
    )(thetas_t)


def kernel(thetas, time_derivs, coeff_0, coeff_1, coeff_2, coeff_3):
    rows = np.nonzero(_MASKS[0])[0].astype(np.int32)
    g_sc = _masked_gather_t(thetas.T, rows).T
    g_tc = _tc_gather_t(thetas.T).T
    return (g_sc, g_sc, g_tc, g_tc, coeff_0, coeff_1, coeff_2, coeff_3)

# --- scband reference (transcript-rebuilt; emitter-appended) ---
"""Pipeline reference for scband-fitting-65300682768678 (READ-ONLY COPY).

The authoritative reference and input builder live on the scoring server;
editing this copy changes nothing except your own understanding.
"""

import jax, jax.numpy as jnp
import numpy as np

N = 1000000
N_TERMS = 64
N_OUT = 4

def setup_inputs(seed: int = 0) -> dict:
    key = jax.random.key(seed)
    k1, k2, k3 = jax.random.split(key, 3)
    inp = {}
    inp["thetas"] = jax.random.normal(k1, (N, N_TERMS), dtype=jnp.float32)
    inp["time_derivs"] = jax.random.normal(k2, (N, N_OUT), dtype=jnp.float32)
    # Learned parameters: one coeff vector [n_terms, 1] per output, init like torch.rand
    for i in range(N_OUT):
        inp[f"coeff_{i}"] = jax.random.uniform(jax.random.fold_in(k3, i), (N_TERMS, 1), dtype=jnp.float32)
    return inp

def reference(thetas, time_derivs, coeff_0, coeff_1, coeff_2, coeff_3):
    # sparsity_mask: list of all-True boolean masks of length n_terms (module default)
    masks = [np.ones(N_TERMS, dtype=bool) for _ in range(N_OUT)]
    # apply_mask: theta[:, mask] per output -> column gather
    sparse_thetas = tuple(
        jnp.take(thetas, jnp.asarray(np.nonzero(m)[0], dtype=jnp.int32), axis=1)
        for m in masks
    )
    # fit_coefficient is an identity pass-through of the coeff vectors
    coeffs = (coeff_0, coeff_1, coeff_2, coeff_3)
    return sparse_thetas + coeffs

if __name__ == "__main__":
    import jax
    _d = setup_inputs()
    print(jax.jit(kernel)(*tuple(_d.values())))

</pallas_src>

<mosaic_0001>
#map = affine_map<(d0, d1) -> (0, 0)>
module attributes {stable_mosaic.version = 14 : i64} {
  func.func @k(%arg0: i32, %arg1: i32, %arg2: memref<64x1000000xf32, #tpu.memory_space<hbm>>, %arg3: memref<64x1000000xf32, #tpu.memory_space<hbm>>, %arg4: memref<!tpu.dma_semaphore, #tpu.memory_space<semaphore_mem>>, %arg5: memref<!tpu.dma_semaphore, #tpu.memory_space<semaphore_mem>>, %arg6: memref<!tpu.dma_semaphore, #tpu.memory_space<semaphore_mem>>, %arg7: memref<!tpu.dma_semaphore, #tpu.memory_space<semaphore_mem>>) attributes {dimension_semantics = [#tpu.dimension_semantics<core_parallel>, #tpu.dimension_semantics<subcore_parallel>], iteration_bounds = array<i64: 2, 16>, scalar_prefetch = 0 : i64, scratch_operands = 4 : i64, tpu.core_type = #tpu.core_type<sc_vector_subcore>, window_params = [{transform_indices = #map}, {transform_indices = #map}]} {
    %mul3A = arith.constant 2 : i32
    %mul3A_0 = arith.muli %arg1, %mul3A : i32
    %add3A = arith.addi %mul3A_0, %arg0 : i32
    %mul3A_1 = arith.constant 2604 : i32
    %mul3A_2 = arith.muli %add3A, %mul3A_1 : i32
    %jit3A = arith.constant 32 : i32
    %div3A = arith.divsi %mul3A_2, %jit3A : i32
    %sign3A = arith.constant 0 : i32
    %sign3A_3 = arith.cmpi sgt, %mul3A_2, %sign3A : i32
    %sign3A_4 = arith.extui %sign3A_3 : i1 to i32
    %sign3A_5 = arith.constant 0 : i32
    %sign3A_6 = arith.cmpi slt, %mul3A_2, %sign3A_5 : i32
    %sign3A_7 = arith.extui %sign3A_6 : i1 to i32
    %sign3A_8 = arith.subi %sign3A_4, %sign3A_7 : i32
    %sign3A_9 = arith.constant 0 : i32
    %sign3A_10 = arith.cmpi sgt, %jit3A, %sign3A_9 : i32
    %sign3A_11 = arith.extui %sign3A_10 : i1 to i32
    %sign3A_12 = arith.constant 0 : i32
    %sign3A_13 = arith.cmpi slt, %jit3A, %sign3A_12 : i32
    %sign3A_14 = arith.extui %sign3A_13 : i1 to i32
    %sign3A_15 = arith.subi %sign3A_11, %sign3A_14 : i32
    %ne3A = arith.cmpi ne, %sign3A_8, %sign3A_15 : i32
    %rem3A = arith.remsi %mul3A_2, %jit3A : i32
    %ne3A_16 = arith.constant 0 : i32
    %ne3A_17 = arith.cmpi ne, %rem3A, %ne3A_16 : i32
    %and3A = arith.andi %ne3A, %ne3A_17 : i1
    %sub3A = arith.constant 1 : i32
    %sub3A_18 = arith.subi %div3A, %sub3A : i32
    %select_n3A = arith.select %and3A, %sub3A_18, %div3A : i32
    %add3A_19 = arith.constant 1 : i32
    %add3A_20 = arith.addi %add3A, %add3A_19 : i32
    %mul3A_21 = arith.constant 2604 : i32
    %mul3A_22 = arith.muli %add3A_20, %mul3A_21 : i32
    %jit3A_23 = arith.constant 32 : i32
    %div3A_24 = arith.divsi %mul3A_22, %jit3A_23 : i32
    %sign3A_25 = arith.constant 0 : i32
    %sign3A_26 = arith.cmpi sgt, %mul3A_22, %sign3A_25 : i32
    %sign3A_27 = arith.extui %sign3A_26 : i1 to i32
    %sign3A_28 = arith.constant 0 : i32
    %sign3A_29 = arith.cmpi slt, %mul3A_22, %sign3A_28 : i32
    %sign3A_30 = arith.extui %sign3A_29 : i1 to i32
    %sign3A_31 = arith.subi %sign3A_27, %sign3A_30 : i32
    %sign3A_32 = arith.constant 0 : i32
    %sign3A_33 = arith.cmpi sgt, %jit3A_23, %sign3A_32 : i32
    %sign3A_34 = arith.extui %sign3A_33 : i1 to i32
    %sign3A_35 = arith.constant 0 : i32
    %sign3A_36 = arith.cmpi slt, %jit3A_23, %sign3A_35 : i32
    %sign3A_37 = arith.extui %sign3A_36 : i1 to i32
    %sign3A_38 = arith.subi %sign3A_34, %sign3A_37 : i32
    %ne3A_39 = arith.cmpi ne, %sign3A_31, %sign3A_38 : i32
    %rem3A_40 = arith.remsi %mul3A_22, %jit3A_23 : i32
    %ne3A_41 = arith.constant 0 : i32
    %ne3A_42 = arith.cmpi ne, %rem3A_40, %ne3A_41 : i32
    %and3A_43 = arith.andi %ne3A_39, %ne3A_42 : i1
    %sub3A_44 = arith.constant 1 : i32
    %sub3A_45 = arith.subi %div3A_24, %sub3A_44 : i32
    %select_n3A_46 = arith.select %and3A_43, %sub3A_45, %div3A_24 : i32
    %sub3A_47 = arith.subi %select_n3A_46, %select_n3A : i32
    "tpu.region"() ({
      %run_scoped3A = memref.alloca() : memref<64x384xf32, #tpu.memory_space<vmem>>
      %run_scoped3A_48 = memref.alloca() : memref<64x384xf32, #tpu.memory_space<vmem>>
      %add3A_49 = arith.constant 0 : i32
      %add3A_50 = arith.addi %select_n3A, %add3A_49 : i32
      %mul3A_51 = arith.constant 384 : i32
      %mul3A_52 = arith.muli %add3A_50, %mul3A_51 : i32
      %multiple_of3A = tpu.assume_multiple %mul3A_52, 128 : i32
      %dma_start3A = arith.constant 0 : i32
      %dma_start3A_53 = tpu.memref_slice %arg2[%dma_start3A, %multiple_of3A] : memref<64x1000000xf32, #tpu.memory_space<hbm>> -> memref<64x384xf32, #tpu.memory_space<hbm>>
      %dma_start3A_54 = arith.constant 0 : i32
      %dma_start3A_55 = tpu.memref_slice %arg2[%dma_start3A_54, %multiple_of3A] : memref<64x1000000xf32, #tpu.memory_space<hbm>> -> memref<64x384xf32, #tpu.memory_space<hbm>>
      tpu.enqueue_dma source(%dma_start3A_55 : memref<64x384xf32, #tpu.memory_space<hbm>>) target(%run_scoped3A : memref<64x384xf32, #tpu.memory_space<vmem>>) target_semaphore(%arg4 : memref<!tpu.dma_semaphore, #tpu.memory_space<semaphore_mem>>)
      %add3A_56 = arith.constant 1 : i32
      %add3A_57 = arith.addi %sub3A_47, %add3A_56 : i32
      %jit3A_58 = arith.constant 2 : i32
      %div3A_59 = arith.divsi %add3A_57, %jit3A_58 : i32
      %sign3A_60 = arith.constant 0 : i32
      %sign3A_61 = arith.cmpi sgt, %add3A_57, %sign3A_60 : i32
      %sign3A_62 = arith.extui %sign3A_61 : i1 to i32
      %sign3A_63 = arith.constant 0 : i32
      %sign3A_64 = arith.cmpi slt, %add3A_57, %sign3A_63 : i32
      %sign3A_65 = arith.extui %sign3A_64 : i1 to i32
      %sign3A_66 = arith.subi %sign3A_62, %sign3A_65 : i32
      %sign3A_67 = arith.constant 0 : i32
      %sign3A_68 = arith.cmpi sgt, %jit3A_58, %sign3A_67 : i32
      %sign3A_69 = arith.extui %sign3A_68 : i1 to i32
      %sign3A_70 = arith.constant 0 : i32
      %sign3A_71 = arith.cmpi slt, %jit3A_58, %sign3A_70 : i32
      %sign3A_72 = arith.extui %sign3A_71 : i1 to i32
      %sign3A_73 = arith.subi %sign3A_69, %sign3A_72 : i32
      %ne3A_74 = arith.cmpi ne, %sign3A_66, %sign3A_73 : i32
      %rem3A_75 = arith.remsi %add3A_57, %jit3A_58 : i32
      %ne3A_76 = arith.constant 0 : i32
      %ne3A_77 = arith.cmpi ne, %rem3A_75, %ne3A_76 : i32
      %and3A_78 = arith.andi %ne3A_74, %ne3A_77 : i1
      %sub3A_79 = arith.constant 1 : i32
      %sub3A_80 = arith.subi %div3A_59, %sub3A_79 : i32
      %select_n3A_81 = arith.select %and3A_78, %sub3A_80, %div3A_59 : i32
      %while3A = arith.constant 0 : i32
      %while3A_82 = arith.constant 0 : i32
      %while3A_83 = arith.subi %select_n3A_81, %while3A_82 : i32
      %while3A_84 = arith.addi %while3A_82, %while3A_83 : i32
      %while3A_85 = arith.constant 1 : i32
      %while3A_86 = arith.divsi %while3A_83, %while3A_85 : i32
      %while3A_87 = arith.muli %while3A_86, %while3A_85 : i32
      %while3A_88 = arith.addi %while3A_82, %while3A_87 : i32
      %while3A_89 = arith.constant 1 : i32
      scf.for %while3A_102 = %while3A_82 to %while3A_88 step %while3A_89  : i32 {
        %mul3A_103 = arith.constant 2 : i32
        %mul3A_104 = arith.muli %mul3A_103, %while3A_102 : i32
        %add3A_105 = arith.constant 1 : i32
        %add3A_106 = arith.addi %mul3A_104, %add3A_105 : i32
        %lt3A = arith.cmpi slt, %add3A_106, %sub3A_47 : i32
        %ge3A = arith.constant 1 : i32
        %ge3A_107 = arith.cmpi sge, %while3A_102, %ge3A : i32
        %and3A_108 = arith.andi %lt3A, %ge3A_107 : i1
        %convert_element_type3A = arith.extui %and3A_108 : i1 to i32
        %cond3A = arith.constant 0 : i32
        %cond3A_109 = arith.cmpi ne, %convert_element_type3A, %cond3A : i32
        scf.if %cond3A_109 {
          %dma_wait3A_138 = arith.constant 0 : i32
          %dma_wait3A_139 = arith.constant 0 : i32
          %dma_wait3A_140 = tpu.memref_slice %arg3[%dma_wait3A_138, %dma_wait3A_139] : memref<64x1000000xf32, #tpu.memory_space<hbm>> -> memref<64x384xf32, #tpu.memory_space<hbm>>
          %dma_wait3A_141 = arith.constant 0 : i32
          %dma_wait3A_142 = arith.constant 0 : i32
          %dma_wait3A_143 = tpu.memref_slice %arg3[%dma_wait3A_141, %dma_wait3A_142] : memref<64x1000000xf32, #tpu.memory_space<hbm>> -> memref<64x384xf32, #tpu.memory_space<hbm>>
          tpu.wait_dma2 semaphore(%arg7 : memref<!tpu.dma_semaphore, #tpu.memory_space<semaphore_mem>>) src(%run_scoped3A_48 : memref<64x384xf32, #tpu.memory_space<vmem>>) dst(%dma_wait3A_143 : memref<64x384xf32, #tpu.memory_space<hbm>>)
        } else {
        }
        %lt3A_110 = arith.cmpi slt, %add3A_106, %sub3A_47 : i32
        %convert_element_type3A_111 = arith.extui %lt3A_110 : i1 to i32
        %cond3A_112 = arith.constant 0 : i32
        %cond3A_113 = arith.cmpi ne, %convert_element_type3A_111, %cond3A_112 : i32
        scf.if %cond3A_113 {
          %add3A_138 = arith.addi %select_n3A, %add3A_106 : i32
          %mul3A_139 = arith.constant 384 : i32
          %mul3A_140 = arith.muli %add3A_138, %mul3A_139 : i32
          %multiple_of3A_141 = tpu.assume_multiple %mul3A_140, 128 : i32
          %dma_start3A_142 = arith.constant 0 : i32
          %dma_start3A_143 = tpu.memref_slice %arg2[%dma_start3A_142, %multiple_of3A_141] : memref<64x1000000xf32, #tpu.memory_space<hbm>> -> memref<64x384xf32, #tpu.memory_space<hbm>>
          %dma_start3A_144 = arith.constant 0 : i32
          %dma_start3A_145 = tpu.memref_slice %arg2[%dma_start3A_144, %multiple_of3A_141] : memref<64x1000000xf32, #tpu.memory_space<hbm>> -> memref<64x384xf32, #tpu.memory_space<hbm>>
          tpu.enqueue_dma source(%dma_start3A_145 : memref<64x384xf32, #tpu.memory_space<hbm>>) target(%run_scoped3A_48 : memref<64x384xf32, #tpu.memory_space<vmem>>) target_semaphore(%arg5 : memref<!tpu.dma_semaphore, #tpu.memory_space<semaphore_mem>>)
        } else {
        }
        %dma_wait3A_114 = arith.constant 0 : i32
        %dma_wait3A_115 = arith.constant 0 : i32
        %dma_wait3A_116 = tpu.memref_slice %arg2[%dma_wait3A_114, %dma_wait3A_115] : memref<64x1000000xf32, #tpu.memory_space<hbm>> -> memref<64x384xf32, #tpu.memory_space<hbm>>
        %dma_wait3A_117 = arith.constant 0 : i32
        %dma_wait3A_118 = arith.constant 0 : i32
        %dma_wait3A_119 = tpu.memref_slice %arg2[%dma_wait3A_117, %dma_wait3A_118] : memref<64x1000000xf32, #tpu.memory_space<hbm>> -> memref<64x384xf32, #tpu.memory_space<hbm>>
        tpu.wait_dma2 semaphore(%arg4 : memref<!tpu.dma_semaphore, #tpu.memory_space<semaphore_mem>>) src(%dma_wait3A_119 : memref<64x384xf32, #tpu.memory_space<hbm>>) dst(%run_scoped3A : memref<64x384xf32, #tpu.memory_space<vmem>>)
        %add3A_120 = arith.addi %select_n3A, %mul3A_104 : i32
        %mul3A_121 = arith.constant 384 : i32
        %mul3A_122 = arith.muli %add3A_120, %mul3A_121 : i32
        %multiple_of3A_123 = tpu.assume_multiple %mul3A_122, 128 : i32
        %dma_start3A_124 = arith.constant 0 : i32
        %dma_start3A_125 = tpu.memref_slice %arg3[%dma_start3A_124, %multiple_of3A_123] : memref<64x1000000xf32, #tpu.memory_space<hbm>> -> memref<64x384xf32, #tpu.memory_space<hbm>>
        %dma_start3A_126 = arith.constant 0 : i32
        %dma_start3A_127 = tpu.memref_slice %arg3[%dma_start3A_126, %multiple_of3A_123] : memref<64x1000000xf32, #tpu.memory_space<hbm>> -> memref<64x384xf32, #tpu.memory_space<hbm>>
        tpu.enqueue_dma source(%run_scoped3A : memref<64x384xf32, #tpu.memory_space<vmem>>) target(%dma_start3A_127 : memref<64x384xf32, #tpu.memory_space<hbm>>) target_semaphore(%arg6 : memref<!tpu.dma_semaphore, #tpu.memory_space<semaphore_mem>>)
        %lt3A_128 = arith.cmpi slt, %add3A_106, %sub3A_47 : i32
        %convert_element_type3A_129 = arith.extui %lt3A_128 : i1 to i32
        %cond3A_130 = arith.constant 0 : i32
        %cond3A_131 = arith.cmpi ne, %convert_element_type3A_129, %cond3A_130 : i32
        scf.if %cond3A_131 {
          %dma_wait3A_138 = arith.constant 0 : i32
          %dma_wait3A_139 = arith.constant 0 : i32
          %dma_wait3A_140 = tpu.memref_slice %arg2[%dma_wait3A_138, %dma_wait3A_139] : memref<64x1000000xf32, #tpu.memory_space<hbm>> -> memref<64x384xf32, #tpu.memory_space<hbm>>
          %dma_wait3A_141 = arith.constant 0 : i32
          %dma_wait3A_142 = arith.constant 0 : i32
          %dma_wait3A_143 = tpu.memref_slice %arg2[%dma_wait3A_141, %dma_wait3A_142] : memref<64x1000000xf32, #tpu.memory_space<hbm>> -> memref<64x384xf32, #tpu.memory_space<hbm>>
          tpu.wait_dma2 semaphore(%arg5 : memref<!tpu.dma_semaphore, #tpu.memory_space<semaphore_mem>>) src(%dma_wait3A_143 : memref<64x384xf32, #tpu.memory_space<hbm>>) dst(%run_scoped3A_48 : memref<64x384xf32, #tpu.memory_space<vmem>>)
          %add3A_144 = arith.addi %select_n3A, %add3A_106 : i32
          %mul3A_145 = arith.constant 384 : i32
          %mul3A_146 = arith.muli %add3A_144, %mul3A_145 : i32
          %multiple_of3A_147 = tpu.assume_multiple %mul3A_146, 128 : i32
          %dma_start3A_148 = arith.constant 0 : i32
          %dma_start3A_149 = tpu.memref_slice %arg3[%dma_start3A_148, %multiple_of3A_147] : memref<64x1000000xf32, #tpu.memory_space<hbm>> -> memref<64x384xf32, #tpu.memory_space<hbm>>
          %dma_start3A_150 = arith.constant 0 : i32
          %dma_start3A_151 = tpu.memref_slice %arg3[%dma_start3A_150, %multiple_of3A_147] : memref<64x1000000xf32, #tpu.memory_space<hbm>> -> memref<64x384xf32, #tpu.memory_space<hbm>>
          tpu.enqueue_dma source(%run_scoped3A_48 : memref<64x384xf32, #tpu.memory_space<vmem>>) target(%dma_start3A_151 : memref<64x384xf32, #tpu.memory_space<hbm>>) target_semaphore(%arg7 : memref<!tpu.dma_semaphore, #tpu.memory_space<semaphore_mem>>)
        } else {
        }
        %add3A_132 = arith.constant 2 : i32
        %add3A_133 = arith.addi %mul3A_104, %add3A_132 : i32
        %lt3A_134 = arith.cmpi slt, %add3A_133, %sub3A_47 : i32
        %convert_element_type3A_135 = arith.extui %lt3A_134 : i1 to i32
        %cond3A_136 = arith.constant 0 : i32
        %cond3A_137 = arith.cmpi ne, %convert_element_type3A_135, %cond3A_136 : i32
        scf.if %cond3A_137 {
          %dma_wait3A_138 = arith.constant 0 : i32
          %dma_wait3A_139 = arith.constant 0 : i32
          %dma_wait3A_140 = tpu.memref_slice %arg3[%dma_wait3A_138, %dma_wait3A_139] : memref<64x1000000xf32, #tpu.memory_space<hbm>> -> memref<64x384xf32, #tpu.memory_space<hbm>>
          %dma_wait3A_141 = arith.constant 0 : i32
          %dma_wait3A_142 = arith.constant 0 : i32
          %dma_wait3A_143 = tpu.memref_slice %arg3[%dma_wait3A_141, %dma_wait3A_142] : memref<64x1000000xf32, #tpu.memory_space<hbm>> -> memref<64x384xf32, #tpu.memory_space<hbm>>
          tpu.wait_dma2 semaphore(%arg6 : memref<!tpu.dma_semaphore, #tpu.memory_space<semaphore_mem>>) src(%run_scoped3A : memref<64x384xf32, #tpu.memory_space<vmem>>) dst(%dma_wait3A_143 : memref<64x384xf32, #tpu.memory_space<hbm>>)
          %add3A_144 = arith.constant 2 : i32
          %add3A_145 = arith.addi %mul3A_104, %add3A_144 : i32
          %add3A_146 = arith.addi %select_n3A, %add3A_145 : i32
          %mul3A_147 = arith.constant 384 : i32
          %mul3A_148 = arith.muli %add3A_146, %mul3A_147 : i32
          %multiple_of3A_149 = tpu.assume_multiple %mul3A_148, 128 : i32
          %dma_start3A_150 = arith.constant 0 : i32
          %dma_start3A_151 = tpu.memref_slice %arg2[%dma_start3A_150, %multiple_of3A_149] : memref<64x1000000xf32, #tpu.memory_space<hbm>> -> memref<64x384xf32, #tpu.memory_space<hbm>>
          %dma_start3A_152 = arith.constant 0 : i32
          %dma_start3A_153 = tpu.memref_slice %arg2[%dma_start3A_152, %multiple_of3A_149] : memref<64x1000000xf32, #tpu.memory_space<hbm>> -> memref<64x384xf32, #tpu.memory_space<hbm>>
          tpu.enqueue_dma source(%dma_start3A_153 : memref<64x384xf32, #tpu.memory_space<hbm>>) target(%run_scoped3A : memref<64x384xf32, #tpu.memory_space<vmem>>) target_semaphore(%arg4 : memref<!tpu.dma_semaphore, #tpu.memory_space<semaphore_mem>>)
        } else {
        }
      }
      %while3A_90 = arith.constant 1 : i32
      scf.for %while3A_102 = %while3A_88 to %while3A_84 step %while3A_90  : i32 {
        %mul3A_103 = arith.constant 2 : i32
        %mul3A_104 = arith.muli %mul3A_103, %while3A_102 : i32
        %add3A_105 = arith.constant 1 : i32
        %add3A_106 = arith.addi %mul3A_104, %add3A_105 : i32
        %lt3A = arith.cmpi slt, %add3A_106, %sub3A_47 : i32
        %ge3A = arith.constant 1 : i32
        %ge3A_107 = arith.cmpi sge, %while3A_102, %ge3A : i32
        %and3A_108 = arith.andi %lt3A, %ge3A_107 : i1
        %convert_element_type3A = arith.extui %and3A_108 : i1 to i32
        %cond3A = arith.constant 0 : i32
        %cond3A_109 = arith.cmpi ne, %convert_element_type3A, %cond3A : i32
        scf.if %cond3A_109 {
          %dma_wait3A_138 = arith.constant 0 : i32
          %dma_wait3A_139 = arith.constant 0 : i32
          %dma_wait3A_140 = tpu.memref_slice %arg3[%dma_wait3A_138, %dma_wait3A_139] : memref<64x1000000xf32, #tpu.memory_space<hbm>> -> memref<64x384xf32, #tpu.memory_space<hbm>>
          %dma_wait3A_141 = arith.constant 0 : i32
          %dma_wait3A_142 = arith.constant 0 : i32
          %dma_wait3A_143 = tpu.memref_slice %arg3[%dma_wait3A_141, %dma_wait3A_142] : memref<64x1000000xf32, #tpu.memory_space<hbm>> -> memref<64x384xf32, #tpu.memory_space<hbm>>
          tpu.wait_dma2 semaphore(%arg7 : memref<!tpu.dma_semaphore, #tpu.memory_space<semaphore_mem>>) src(%run_scoped3A_48 : memref<64x384xf32, #tpu.memory_space<vmem>>) dst(%dma_wait3A_143 : memref<64x384xf32, #tpu.memory_space<hbm>>)
        } else {
        }
        %lt3A_110 = arith.cmpi slt, %add3A_106, %sub3A_47 : i32
        %convert_element_type3A_111 = arith.extui %lt3A_110 : i1 to i32
        %cond3A_112 = arith.constant 0 : i32
        %cond3A_113 = arith.cmpi ne, %convert_element_type3A_111, %cond3A_112 : i32
        scf.if %cond3A_113 {
          %add3A_138 = arith.addi %select_n3A, %add3A_106 : i32
          %mul3A_139 = arith.constant 384 : i32
          %mul3A_140 = arith.muli %add3A_138, %mul3A_139 : i32
          %multiple_of3A_141 = tpu.assume_multiple %mul3A_140, 128 : i32
          %dma_start3A_142 = arith.constant 0 : i32
          %dma_start3A_143 = tpu.memref_slice %arg2[%dma_start3A_142, %multiple_of3A_141] : memref<64x1000000xf32, #tpu.memory_space<hbm>> -> memref<64x384xf32, #tpu.memory_space<hbm>>
          %dma_start3A_144 = arith.constant 0 : i32
          %dma_start3A_145 = tpu.memref_slice %arg2[%dma_start3A_144, %multiple_of3A_141] : memref<64x1000000xf32, #tpu.memory_space<hbm>> -> memref<64x384xf32, #tpu.memory_space<hbm>>
          tpu.enqueue_dma source(%dma_start3A_145 : memref<64x384xf32, #tpu.memory_space<hbm>>) target(%run_scoped3A_48 : memref<64x384xf32, #tpu.memory_space<vmem>>) target_semaphore(%arg5 : memref<!tpu.dma_semaphore, #tpu.memory_space<semaphore_mem>>)
        } else {
        }
        %dma_wait3A_114 = arith.constant 0 : i32
        %dma_wait3A_115 = arith.constant 0 : i32
        %dma_wait3A_116 = tpu.memref_slice %arg2[%dma_wait3A_114, %dma_wait3A_115] : memref<64x1000000xf32, #tpu.memory_space<hbm>> -> memref<64x384xf32, #tpu.memory_space<hbm>>
        %dma_wait3A_117 = arith.constant 0 : i32
        %dma_wait3A_118 = arith.constant 0 : i32
        %dma_wait3A_119 = tpu.memref_slice %arg2[%dma_wait3A_117, %dma_wait3A_118] : memref<64x1000000xf32, #tpu.memory_space<hbm>> -> memref<64x384xf32, #tpu.memory_space<hbm>>
        tpu.wait_dma2 semaphore(%arg4 : memref<!tpu.dma_semaphore, #tpu.memory_space<semaphore_mem>>) src(%dma_wait3A_119 : memref<64x384xf32, #tpu.memory_space<hbm>>) dst(%run_scoped3A : memref<64x384xf32, #tpu.memory_space<vmem>>)
        %add3A_120 = arith.addi %select_n3A, %mul3A_104 : i32
        %mul3A_121 = arith.constant 384 : i32
        %mul3A_122 = arith.muli %add3A_120, %mul3A_121 : i32
        %multiple_of3A_123 = tpu.assume_multiple %mul3A_122, 128 : i32
        %dma_start3A_124 = arith.constant 0 : i32
        %dma_start3A_125 = tpu.memref_slice %arg3[%dma_start3A_124, %multiple_of3A_123] : memref<64x1000000xf32, #tpu.memory_space<hbm>> -> memref<64x384xf32, #tpu.memory_space<hbm>>
        %dma_start3A_126 = arith.constant 0 : i32
        %dma_start3A_127 = tpu.memref_slice %arg3[%dma_start3A_126, %multiple_of3A_123] : memref<64x1000000xf32, #tpu.memory_space<hbm>> -> memref<64x384xf32, #tpu.memory_space<hbm>>
        tpu.enqueue_dma source(%run_scoped3A : memref<64x384xf32, #tpu.memory_space<vmem>>) target(%dma_start3A_127 : memref<64x384xf32, #tpu.memory_space<hbm>>) target_semaphore(%arg6 : memref<!tpu.dma_semaphore, #tpu.memory_space<semaphore_mem>>)
        %lt3A_128 = arith.cmpi slt, %add3A_106, %sub3A_47 : i32
        %convert_element_type3A_129 = arith.extui %lt3A_128 : i1 to i32
        %cond3A_130 = arith.constant 0 : i32
        %cond3A_131 = arith.cmpi ne, %convert_element_type3A_129, %cond3A_130 : i32
        scf.if %cond3A_131 {
          %dma_wait3A_138 = arith.constant 0 : i32
          %dma_wait3A_139 = arith.constant 0 : i32
          %dma_wait3A_140 = tpu.memref_slice %arg2[%dma_wait3A_138, %dma_wait3A_139] : memref<64x1000000xf32, #tpu.memory_space<hbm>> -> memref<64x384xf32, #tpu.memory_space<hbm>>
          %dma_wait3A_141 = arith.constant 0 : i32
          %dma_wait3A_142 = arith.constant 0 : i32
          %dma_wait3A_143 = tpu.memref_slice %arg2[%dma_wait3A_141, %dma_wait3A_142] : memref<64x1000000xf32, #tpu.memory_space<hbm>> -> memref<64x384xf32, #tpu.memory_space<hbm>>
          tpu.wait_dma2 semaphore(%arg5 : memref<!tpu.dma_semaphore, #tpu.memory_space<semaphore_mem>>) src(%dma_wait3A_143 : memref<64x384xf32, #tpu.memory_space<hbm>>) dst(%run_scoped3A_48 : memref<64x384xf32, #tpu.memory_space<vmem>>)
          %add3A_144 = arith.addi %select_n3A, %add3A_106 : i32
          %mul3A_145 = arith.constant 384 : i32
          %mul3A_146 = arith.muli %add3A_144, %mul3A_145 : i32
          %multiple_of3A_147 = tpu.assume_multiple %mul3A_146, 128 : i32
          %dma_start3A_148 = arith.constant 0 : i32
          %dma_start3A_149 = tpu.memref_slice %arg3[%dma_start3A_148, %multiple_of3A_147] : memref<64x1000000xf32, #tpu.memory_space<hbm>> -> memref<64x384xf32, #tpu.memory_space<hbm>>
          %dma_start3A_150 = arith.constant 0 : i32
          %dma_start3A_151 = tpu.memref_slice %arg3[%dma_start3A_150, %multiple_of3A_147] : memref<64x1000000xf32, #tpu.memory_space<hbm>> -> memref<64x384xf32, #tpu.memory_space<hbm>>
          tpu.enqueue_dma source(%run_scoped3A_48 : memref<64x384xf32, #tpu.memory_space<vmem>>) target(%dma_start3A_151 : memref<64x384xf32, #tpu.memory_space<hbm>>) target_semaphore(%arg7 : memref<!tpu.dma_semaphore, #tpu.memory_space<semaphore_mem>>)
        } else {
        }
        %add3A_132 = arith.constant 2 : i32
        %add3A_133 = arith.addi %mul3A_104, %add3A_132 : i32
        %lt3A_134 = arith.cmpi slt, %add3A_133, %sub3A_47 : i32
        %convert_element_type3A_135 = arith.extui %lt3A_134 : i1 to i32
        %cond3A_136 = arith.constant 0 : i32
        %cond3A_137 = arith.cmpi ne, %convert_element_type3A_135, %cond3A_136 : i32
        scf.if %cond3A_137 {
          %dma_wait3A_138 = arith.constant 0 : i32
          %dma_wait3A_139 = arith.constant 0 : i32
          %dma_wait3A_140 = tpu.memref_slice %arg3[%dma_wait3A_138, %dma_wait3A_139] : memref<64x1000000xf32, #tpu.memory_space<hbm>> -> memref<64x384xf32, #tpu.memory_space<hbm>>
          %dma_wait3A_141 = arith.constant 0 : i32
          %dma_wait3A_142 = arith.constant 0 : i32
          %dma_wait3A_143 = tpu.memref_slice %arg3[%dma_wait3A_141, %dma_wait3A_142] : memref<64x1000000xf32, #tpu.memory_space<hbm>> -> memref<64x384xf32, #tpu.memory_space<hbm>>
          tpu.wait_dma2 semaphore(%arg6 : memref<!tpu.dma_semaphore, #tpu.memory_space<semaphore_mem>>) src(%run_scoped3A : memref<64x384xf32, #tpu.memory_space<vmem>>) dst(%dma_wait3A_143 : memref<64x384xf32, #tpu.memory_space<hbm>>)
          %add3A_144 = arith.constant 2 : i32
          %add3A_145 = arith.addi %mul3A_104, %add3A_144 : i32
          %add3A_146 = arith.addi %select_n3A, %add3A_145 : i32
          %mul3A_147 = arith.constant 384 : i32
          %mul3A_148 = arith.muli %add3A_146, %mul3A_147 : i32
          %multiple_of3A_149 = tpu.assume_multiple %mul3A_148, 128 : i32
          %dma_start3A_150 = arith.constant 0 : i32
          %dma_start3A_151 = tpu.memref_slice %arg2[%dma_start3A_150, %multiple_of3A_149] : memref<64x1000000xf32, #tpu.memory_space<hbm>> -> memref<64x384xf32, #tpu.memory_space<hbm>>
          %dma_start3A_152 = arith.constant 0 : i32
          %dma_start3A_153 = tpu.memref_slice %arg2[%dma_start3A_152, %multiple_of3A_149] : memref<64x1000000xf32, #tpu.memory_space<hbm>> -> memref<64x384xf32, #tpu.memory_space<hbm>>
          tpu.enqueue_dma source(%dma_start3A_153 : memref<64x384xf32, #tpu.memory_space<hbm>>) target(%run_scoped3A : memref<64x384xf32, #tpu.memory_space<vmem>>) target_semaphore(%arg4 : memref<!tpu.dma_semaphore, #tpu.memory_space<semaphore_mem>>)
        } else {
        }
      }
      %dma_wait3A = arith.constant 0 : i32
      %dma_wait3A_91 = arith.constant 0 : i32
      %dma_wait3A_92 = tpu.memref_slice %arg3[%dma_wait3A, %dma_wait3A_91] : memref<64x1000000xf32, #tpu.memory_space<hbm>> -> memref<64x384xf32, #tpu.memory_space<hbm>>
      %dma_wait3A_93 = arith.constant 0 : i32
      %dma_wait3A_94 = arith.constant 0 : i32
      %dma_wait3A_95 = tpu.memref_slice %arg3[%dma_wait3A_93, %dma_wait3A_94] : memref<64x1000000xf32, #tpu.memory_space<hbm>> -> memref<64x384xf32, #tpu.memory_space<hbm>>
      tpu.wait_dma2 semaphore(%arg6 : memref<!tpu.dma_semaphore, #tpu.memory_space<semaphore_mem>>) src(%run_scoped3A : memref<64x384xf32, #tpu.memory_space<vmem>>) dst(%dma_wait3A_95 : memref<64x384xf32, #tpu.memory_space<hbm>>)
      %dma_wait3A_96 = arith.constant 0 : i32
      %dma_wait3A_97 = arith.constant 0 : i32
      %dma_wait3A_98 = tpu.memref_slice %arg3[%dma_wait3A_96, %dma_wait3A_97] : memref<64x1000000xf32, #tpu.memory_space<hbm>> -> memref<64x384xf32, #tpu.memory_space<hbm>>
      %dma_wait3A_99 = arith.constant 0 : i32
      %dma_wait3A_100 = arith.constant 0 : i32
      %dma_wait3A_101 = tpu.memref_slice %arg3[%dma_wait3A_99, %dma_wait3A_100] : memref<64x1000000xf32, #tpu.memory_space<hbm>> -> memref<64x384xf32, #tpu.memory_space<hbm>>
      tpu.wait_dma2 semaphore(%arg7 : memref<!tpu.dma_semaphore, #tpu.memory_space<semaphore_mem>>) src(%run_scoped3A_48 : memref<64x384xf32, #tpu.memory_space<vmem>>) dst(%dma_wait3A_101 : memref<64x384xf32, #tpu.memory_space<hbm>>)
      tpu.yield
    }) : () -> ()
    return
  }
}

module attributes {stable_mosaic.version = 14 : i64} {
  func.func @_tc_copy_kernel(%arg0: i32, %arg1: memref<64x32768xf32, #tpu.memory_space<vmem>>, %arg2: memref<64x32768xf32, #tpu.memory_space<vmem>>) attributes {dimension_semantics = [#tpu.dimension_semantics<arbitrary>], iteration_bounds = array<i64: 31>, scalar_prefetch = 0 : i64, scratch_operands = 0 : i64, tpu.core_type = #tpu.core_type<tc>, window_params = [{transform_indices = @transform_0, window_bounds = array<i64: 64, 32768>}, {transform_indices = @transform_1, window_bounds = array<i64: 64, 32768>}]} {
    %get3A = arith.constant 0 : index
    %get3A_0 = arith.constant 0 : index
    %get3A_1 = vector.load %arg1[%get3A, %get3A_0] : memref<64x32768xf32, #tpu.memory_space<vmem>>, vector<64x32768xf32>
    %swap3A = arith.constant 0 : index
    %swap3A_2 = arith.constant 0 : index
    %swap3A_3 = vector.load %arg2[%swap3A, %swap3A_2] : memref<64x32768xf32, #tpu.memory_space<vmem>>, vector<64x32768xf32>
    tpu.vector_store %arg2[%swap3A, %swap3A_2], %get3A_1 {strides = array<i32>} : memref<64x32768xf32, #tpu.memory_space<vmem>>, vector<64x32768xf32>,
    return
  }
  func.func @transform_0(%arg0: i32) -> (i32, i32) {
    %c0_i32 = arith.constant 0 : i32
    %c0_i32_0 = arith.constant 0 : i32
    return %c0_i32, %arg0 : i32, i32
  }
  func.func @transform_1(%arg0: i32) -> (i32, i32) {
    %c0_i32 = arith.constant 0 : i32
    %c0_i32_0 = arith.constant 0 : i32
    return %c0_i32, %arg0 : i32, i32
  }
}

module attributes {stable_mosaic.version = 14 : i64} {
  func.func @_tail_kernel(%arg0: i32, %arg1: memref<64x1000000xf32, #tpu.memory_space<any>>, %arg2: memref<64x128xf32, #tpu.memory_space<vmem>>, %arg3: memref<64x128xf32, #tpu.memory_space<vmem>>) attributes {dimension_semantics = [#tpu.dimension_semantics<arbitrary>], iteration_bounds = array<i64: 1>, scalar_prefetch = 0 : i64, scratch_operands = 0 : i64, tpu.core_type = #tpu.core_type<tc>, window_params = [{}, {transform_indices = @transform_1, window_bounds = array<i64: 64, 128>}, {transform_indices = @transform_2, window_bounds = array<i64: 64, 128>}]} {
    %get3A = arith.constant 0 : index
    %get3A_0 = arith.constant 0 : index
    %get3A_1 = vector.load %arg2[%get3A, %get3A_0] : memref<64x128xf32, #tpu.memory_space<vmem>>, vector<64x128xf32>
    %swap3A = arith.constant 0 : index
    %swap3A_2 = arith.constant 0 : index
    %swap3A_3 = vector.load %arg3[%swap3A, %swap3A_2] : memref<64x128xf32, #tpu.memory_space<vmem>>, vector<64x128xf32>
    tpu.vector_store %arg3[%swap3A, %swap3A_2], %get3A_1 {strides = array<i32>} : memref<64x128xf32, #tpu.memory_space<vmem>>, vector<64x128xf32>,
    return
  }
  func.func @transform_1(%arg0: i32) -> (i32, i32) {
    %add3A = arith.constant 7812 : i32
    %add3A_0 = arith.addi %add3A, %arg0 : i32
    %c0_i32 = arith.constant 0 : i32
    %c0_i32_1 = arith.constant 0 : i32
    return %c0_i32, %add3A_0 : i32, i32
  }
  func.func @transform_2(%arg0: i32) -> (i32, i32) {
    %add3A = arith.constant 7812 : i32
    %add3A_0 = arith.addi %add3A, %arg0 : i32
    %c0_i32 = arith.constant 0 : i32
    %c0_i32_1 = arith.constant 0 : i32
    return %c0_i32, %add3A_0 : i32, i32
  }
}

</mosaic_0001>

<sc_bundles>
// kernel: kernel.5.cloned.1.call-start
scs
__scs_entry_jumppad:
0x0: {  	(pc) =	sbr.rel $0x88, $3  }
0x1: {  	(tag) =	ssettag $0x0;
	lr =	simm.s32 $0x1  }
0x2: {  	[smem:$0x3F9C] =	sst lr;
	_ =	strace $0xD0000000  }
0x3: {  	_ = 	snop  }
0x4: {  	_ = 	snop  }
0x5: {  	_ = 	snop  }
0x6: {  	_ = 	snop  }
0x7: {  	_ = 	snop  }
__scs_overlays_trampoline_lowered:
0x8: {  	[smem:$0x3FAB] =	sst s0  }
0x9: {  	[smem:$0x3FAC] =	sst s1  }
0xa: {  	[smem:$0x3FAD] =	sst s2  }
0xb: {  	[smem:$0x3FAE] =	sst s3  }
0xc: {  	[smem:$0x3FAF] =	sst s4  }
0xd: {  	[smem:$0x3FB0] =	sst s5  }
0xe: {  	[smem:$0x3FB1] =	sst s6  }
0xf: {  	[smem:$0x3FB2] =	sst s7  }
0x10: {  	[smem:$0x3FB3] =	sst s8  }
0x11: {  	[smem:$0x3FB4] =	sst s9;
	s0 =	simm.s32 @!p0 $0x0  }
0x12: {  	s1 =	sld [smem:$0x3F9A];
	s0 =	simm.s32 @p0 $0x1  }
0x13: {  	[smem:$0x3FB5] =	sst s0;
	s0 =	simm.s32 @!p1 $0x0  }
0x14: {  	s2 =	sld [smem:$0x3F99];
	s0 =	simm.s32 @p1 $0x1  }
0x15: {  	[smem:$0x3FB6] =	sst s0;
	s0 =	simm.s32 @!p2 $0x0  }
0x16: {  	s3 =	sld [smem:$0x3FDB];
	s0 =	simm.s32 @p2 $0x1  }
0x17: {  	s4 =	simm.s32 $0x1BF5;
	[smem:$0x3FB8] =	sst s0  }
0x18: {  	s0 =	sld [smem:$0x3F9B];
	_ =	swait.ge [sflag:s4], $0x0  }
0x19: {  	s7 =	sld [smem:$0x3F9C]  }
0x1a: {  	s8 =	sadd.s32 $0xFFFFE003, lr  }
0x1b: {  	s9 =	sadd.s32 $0xFFFFFEF7, lr;
	s5 =	simm.s32 $0xFFFFFFFF;
	p2 =	slt.u32 s8, $0xFFFFF086  }
0x1c: {  	p1 =	slt.u32 s9, $0xF7A;
	s5 =	simm.s32 @!p2 $0x0  }
0x1d: {  	s5 =	simm.s32 @p1 $0x1;
	p0 =	seq.s32 s7, s2  }
0x1e: {  	s7 =	smul.u32 @!p0 $0xF7A, s2;
	p2 =	seq.s32 @!p0 s5, $0x0  }
0x1f: {  	s9 =	smul.u32 $0xF7A, s1;
	s8 =	simm.s32 @!p0 $0x1BF5;
	p2 =	por !p2, p0  }
0x20: {  	[sflag:s8] =	ssyncset.s32 @!p0 $0xFFFFF086;
	s6 =	sadd.s32 @!p0 s3, s7;
	s7 =	simm.s32 @!p0 $0x108  }
0x21: {  	s3 =	sadd.s32 s3, s9;
	s6 =	sadd.s32 @!p0 $0x88, s6;
	s7 =	simm.s32 @p2 $0x1082  }
0x22: {  	[simem:s7], [sflag:s8] =	dma.local @!p0 [hbm:s6], $0xF7A  }
0x23: {  	s9 =	sor.u32 $0xD0000000, s2;
	s6 =	simm.s32 $0x108;
	_ =	swait.ge @!p0 [sflag:s8], $0x0  }
0x24: {  	s3 =	sadd.s32 $0x88, s3;
	s6 =	simm.s32 @!p1 $0x1082;
	[sflag:s4] =	ssyncset.s32 $0xFFFFF086  }
0x25: {  	[simem:s6], [sflag:s4] =	dma.local [hbm:s3], $0xF7A  }
0x26: {  	[smem:$0x3F9C] =	sst s1;
	(tag) =	ssettag s2;
	_ =	strace s9  }
0x27: {  	s1 =	sld [smem:$0x3FAC]  }
0x28: {  	s2 =	sld [smem:$0x3FAD]  }
0x29: {  	s4 =	sld [smem:$0x3FAF]  }
0x2a: {  	p0 =	seq.s32 s5, $0x0;
	s5 =	sld [smem:$0x3FB0]  }
0x2b: {  	s6 =	sld [smem:$0x3FB1]  }
0x2c: {  	s7 =	sld [smem:$0x3FB2]  }
0x2d: {  	s3 =	simm.s32 $0x108;
	s8 =	sld [smem:$0x3FB3]  }
0x2e: {  	s3 =	simm.s32 @!p0 $0x1082;
	s9 =	sld [smem:$0x3FB4]  }
0x2f: {  	lr =	sadd.s32 s0, s3;
	s0 =	sld [smem:$0x3FAB]  }
0x30: {  	s3 =	sld [smem:$0x3FAE]  }
0x31: {  	[smem:$0x3FB7] =	sst s10  }
0x32: {  	s10 =	sld [smem:$0x3FB5];
	_ =	sdelay $0x3  }
0x33: {  	p0 =	seq.s32 s10, $0x1;
	s10 =	sld [smem:$0x3FB7];
	_ =	sdelay $0x3  }
0x34: {  	[smem:$0x3FB7] =	sst s10  }
0x35: {  	s10 =	sld [smem:$0x3FB6];
	_ =	sdelay $0x3  }
0x36: {  	p1 =	seq.s32 s10, $0x1;
	s10 =	sld [smem:$0x3FB7];
	_ =	sdelay $0x3  }
0x37: {  	[smem:$0x3FB7] =	sst s10  }
0x38: {  	s10 =	sld [smem:$0x3FB8]  }
0x39: {  	_ = 	snop;
	(pc) =	sbr.ind lr, $3  }
0x3a: {  	_ = 	snop  }
0x3b: {  	_ = 	snop  }
0x3c: {  	p2 =	seq.s32 s10, $0x1;
	s10 =	sld [smem:$0x3FB7]  }
0x3d: {  	_ =	shalt  }
0x3e: {  	_ =	shalt  }
0x3f: {  	_ =	shalt  }
0x40: {  	_ =	shalt  }
0x41: {  	_ =	shalt  }
0x42: {  	_ =	shalt  }
0x43: {  	_ =	shalt  }
0x44: {  	_ =	shalt  }
0x45: {  	_ =	shalt  }
0x46: {  	_ =	shalt  }
0x47: {  	_ =	shalt  }
0x48: {  	_ =	shalt  }
0x49: {  	_ =	shalt  }
0x4a: {  	_ =	shalt  }
0x4b: {  	_ =	shalt  }
0x4c: {  	_ =	shalt  }
0x4d: {  	_ =	shalt  }
0x4e: {  	_ =	shalt  }
0x4f: {  	_ =	shalt  }
0x50: {  	_ =	shalt  }
0x51: {  	_ =	shalt  }
0x52: {  	_ =	shalt  }
0x53: {  	_ =	shalt  }
0x54: {  	_ =	shalt  }
0x55: {  	_ =	shalt  }
0x56: {  	_ =	shalt  }
0x57: {  	_ =	shalt  }
0x58: {  	_ =	shalt  }
0x59: {  	_ =	shalt  }
0x5a: {  	_ =	shalt  }
0x5b: {  	_ =	shalt  }
0x5c: {  	_ =	shalt  }
0x5d: {  	_ =	shalt  }
0x5e: {  	_ =	shalt  }
0x5f: {  	_ =	shalt  }
0x60: {  	_ =	shalt  }
0x61: {  	_ =	shalt  }
0x62: {  	_ =	shalt  }
0x63: {  	_ =	shalt  }
0x64: {  	_ =	shalt  }
0x65: {  	_ =	shalt  }
0x66: {  	_ =	shalt  }
0x67: {  	_ =	shalt  }
0x68: {  	_ =	shalt  }
0x69: {  	_ =	shalt  }
0x6a: {  	_ =	shalt  }
0x6b: {  	_ =	shalt  }
0x6c: {  	_ =	shalt  }
0x6d: {  	_ =	shalt  }
0x6e: {  	_ =	shalt  }
0x6f: {  	_ =	shalt  }
0x70: {  	_ =	shalt  }
0x71: {  	_ =	shalt  }
0x72: {  	_ =	shalt  }
0x73: {  	_ =	shalt  }
0x74: {  	_ =	shalt  }
0x75: {  	_ =	shalt  }
0x76: {  	_ =	shalt  }
0x77: {  	_ =	shalt  }
0x78: {  	_ =	shalt  }
0x79: {  	_ =	shalt  }
0x7a: {  	_ =	shalt  }
0x7b: {  	_ =	shalt  }
0x7c: {  	_ =	shalt  }
0x7d: {  	_ =	shalt  }
0x7e: {  	_ =	shalt  }
0x7f: {  	_ =	shalt  }
0x80: {  	_ =	shalt  }
0x81: {  	_ =	shalt  }
0x82: {  	_ =	shalt  }
0x83: {  	_ =	shalt  }
0x84: {  	_ =	shalt  }
0x85: {  	_ =	shalt  }
0x86: {  	_ =	shalt  }
0x87: {  	_ =	shalt  }
.Lfunc_end0:
.L_simem_size_0:
called_computation_lowered:
.L_overlay_start_0:
0x88: {  	s2 =	sld [smem:$0x3FD9]  }
0x89: {  	s3 =	sld [smem:$0x3FFE];
	_ =	sdelay $0x1  }
0x8a: {  	s1 =	srdreg.scid  }
0x8b: {  	s0 =	sand.u32 $0x1, s1  }
0x8c: {  	s15 =	sshll.u32 s0, $0xA;
	s2 =	sadd.s32 s3, s2  }
0x8d: {  	s2 =	sadd.s32 s2, s15  }
0x8e: {  	[smem:$0x3FC3] =	sst s2  }
0x8f: {  	_ = 	snop  }
0x90: {  	s2 =	sld [smem:$0x3FD0];
	_ =	sdelay $0x2  }
0x91: {  	s4 =	simm.s32 $0xA;
	s5 =	simm.s32 $0x10;
	s16 =	sld [smem:$0x3FC9]  }
0x92: {  	[smem:s5], [sflag:s4] =	dma.local [hbm:s2], $0x1  }
0x93: {  	_ =	swait.eq [sflag:s4], $0x1  }
0x94: {  	[sflag:s4] =	ssyncset.done $0x0  }
0x95: {  	[sflag:s4] =	ssyncadd.s32 $0xFFFFFFFF  }
0x96: {  	s17 =	sld [smem:$0x10];
	(tm) =	ssettm $0x1  }
0x97: {  	s18 =	sld [smem:$0x3FFB];
	_ =	sdelay $0x3  }
0x98: {  	_ =	strace s18  }
0x99: {  	s4 =	sld [smem:$0x3FFC];
	_ =	sdelay $0x3  }
0x9a: {  	_ =	strace s4  }
0x9b: {  	s4 =	sld [smem:$0x3FFD];
	_ =	sdelay $0x3  }
0x9c: {  	_ =	strace s4  }
0x9d: {  	_ =	strace $0x8FFFFFFF  }
0x9e: {  	s19 =	sld [smem:$0x3FDB];
	_ =	sdelay $0x1  }
0x9f: {  	s20 =	simm.s32 $_scs_section_size  }
0xa0: {  	s6 =	simm.s32 $_size__tile_overlayer_lowered;
	s7 =	simm.s32 $_tile_overlayer_lowered  }
0xa1: {  	s23 =	simm.s32 $0x1BFF;
	s22 =	sshll.u32 s7, $0x1;
	s4 =	sadd.s32 s20, s19  }
0xa2: {  	s8 =	simm.s32 $0x0;
	s21 =	sshll.u32 s6, $0x1;
	s6 =	sadd.s32 s22, s4  }
0xa3: {  	[timem:s8], [sflag:s23] =	dma.local [hbm:s6], s21  }
0xa4: {  	_ =	swait.ge [sflag:s23], s21  }
0xa5: {  	s5 =	ssub.s32 $0x0, s21;
	[sflag:s23] =	ssyncset.done $0x0  }
0xa6: {  	[sflag:s23] =	ssyncadd.s32 s5;
	_ =	sdelay $0x1  }
0xa7: {  	s24 =	simm.s32 $0x1B8B  }
0xa8: {  	_ =	swait.ge [sflag:s24], $0x1  }
0xa9: {  	[sflag:s24] =	ssyncset.done $0x0  }
0xaa: {  	s25 =	simm.s32 $0x1B8E;
	[sflag:s24] =	ssyncadd.s32 $0xFFFFFFFF  }
0xab: {  	s26 =	simm.s32 $execute0_lowered;
	[smem:$0x3FD2] =	sst s25  }
0xac: {  	s5 =	sshll.u32 s26, $0x1;
	_ =	strace $0x80000046;
	[dreg:$0x1] =	wrdreg $0xFFFFFFFF  }
0xad: {  	s28 =	simm.s32 $_size_execute0_lowered;
	s4 =	sadd.s32 s4, s5;
	[dreg:$0x0] =	wrdreg $0x0  }
0xae: {  	s5 =	sshll.u32 s28, $0x1;
	[dreg:$0x2] =	wrdreg s4  }
0xaf: {  	[dreg:$0x3] =	wrdreg s5  }
0xb0: {  	[dreg:$0x4] =	wrdreg $0xC0  }
0xb1: {  	_ =	task [dreg:s8], $0x5FFFF  }
0xb2: {  	[dreg:$0x1] =	wrdreg $0xFFFFFFFF  }
0xb3: {  	[dreg:$0x0] =	wrdreg $0x60  }
0xb4: {  	[dreg:$0x2] =	wrdreg s16  }
0xb5: {  	[dreg:$0x3] =	wrdreg s17  }
0xb6: {  	[dreg:$0x4] =	wrdreg $0x9  }
0xb7: {  	_ =	task.clear_ibuf [dreg:s8], $0x5FFFF;
	_ =	strace $0x90000046  }
0xb8: {  	s29 =	simm.s32 $0x9;
	_ =	strace $0x80000048  }
0xb9: {  	_ =	swait.ge [sflag:s29], $0x1  }
0xba: {  	[sflag:s29] =	ssyncadd.s32 $0xFFFFFFFF  }
0xbb: {  	_ =	strace $0x90000048  }
0xbc: {  	_ =	sfence  }
0xbd: {  	s30 =	sld [smem:$0x0];
	_ =	sdelay $0x2  }
0xbe: {  	s31 =	sshll.u32 s1, $0xD;
	s1 =	sshrl.u32 s1, $0x2  }
0xbf: {  	s3 =	sand.u32 $0x4000, s31;
	s1 =	sadd.s32 s1, s30  }
0xc0: {  	s0 =	sor.u32 s3, s0;
	s1 =	sshll.u32 s1, $0x11  }
0xc1: {  	s0 =	sor.u32 s1, s0  }
0xc2: {  	s0 =	sadd.s32 $0x8F2B, s0  }
0xc3: {  	[sflag:s0] =	ssyncadd.remote.s32 $0x1  }
0xc4: {  	_ =	sfence.sel $0xFFFF  }
0xc5: {  	[dreg:$0x0] =	wrdreg $0xFFFFFFFF;
	(pc) =	sbr.abs _section_cstart, $3  }
0xc6: {  	[dreg:$0x1] =	wrdreg $0xFFFFFFFF  }
0xc7: {  	_ =	task.clear_ibuf [dreg:s8], $0x2FFFF;
	_ =	strace $0x9FFFFFFF  }
0xc8: {  	(tm) =	ssettm $0x7FFFFFFF  }
0xc9: {  	_ =	shalt  }
tec
execute0_lowered:
.L_overlay_start_1:
0x0: {  	(tag) =	ssettag $0x1  }
0x1: {  	s1 =	srdreg.scid;
	s2 =	rddreg [dreg:$0x0]  }
0x2: {  	s0 =	stileid.u32;
	s3 =	rddreg [dreg:$0x1]  }
0x3: {  	s13 =	simm.s32 $0x1;
	s16 =	simm.s32 $0x7A1400;
	s18 =	simm.s32 $0x4  }
0x4: {  	s8 =	sand.u32 $0x1, s1;
	s26 =	sshll.u32 s0, $0x1;
	s14 =	smul.u32 $0x1458, s0  }
0x5: {  	s1 =	sor.u32 s8, s26;
	s6 =	ssub.s32 $0x2, s8;
	s15 =	smul.u32 $0xA2C, s8  }
0x6: {  	s19 =	simm.s32 $0x0;
	s4 =	smul.u32 $0xA2C, s1;
	s9 =	sshrl.u32 s6, $0x1  }
0x7: {  	s1 =	rddreg [dreg:$0x2];
	s9 =	ssub.s32 s6, s9;
	s14 =	sadd.s32 s15, s14  }
0x8: {  	s15 =	simm.s32 $0xC00;
	s5 =	sadd.s32 $0xA2C, s4;
	s7 =	sshrl.u32 s4, $0x5  }
0x9: {  	s4 =	simm.s32 $0x0;
	s8 =	smax.u32 s9, $0x1;
	s5 =	sshrl.u32 s5, $0x5  }
0xa: {  	s31 =	sshrl.u32 s14, $0x5;
	s11 =	smul.u32 $0x180, s7;
	s5 =	ssub.s32 s5, s7  }
0xb: {  	[smem:$0x7FF] =	sst s4;
	s29 =	smul.u32 $0xC00, s7;
	s10 =	sadd.s32 $0x1, s5  }
0xc: {  	s14 =	smul.u32 $0xC00, s31;
	s28 =	sand.u32 $0x8000, s10;
	s12 =	sand.u32 $0x1, s10  }
0xd: {  	p0 =	slt.s32 s5, $0x0;
	s6 =	sshrl.u32 s28, $0xF;
	p1 =	seq.s32 s12, $0x1  }
0xe: {  	_ =	strace $0x80000047;
	s10 =	sadd.s32 s6, s10;
	p0 =	por !p0, !p1  }
0xf: {  	s7 =	simm.s32 $0x1;
	s10 =	sshll.u32 s10, $0x10;
	p0 =	por !p0, !p0  }
0x10: {  	s14 =	sadd.s32 $0x3000, s14;
	s10 =	sshra.s32 s10, $0x11;
	s13 =	simm.s32 @!p0 $0x0  }
0x11: {  	s12 =	sshrl.u32 s29, $0x3;
	s6 =	sadd.s32 s2, s11;
	s17 =	ssub.s32 s10, s13  }
0x12: {  	s30 =	sadd.s32 $0x180, s12;
	s12 =	sadd.s32 s2, s12;
	p3 =	slt.s32 s17, $0x1  }
.Ltmp0:
0x13: {  	s9 =	sadd.s32 s2, s30;
	p1 =	slt.s32 @!p3 s5, $0x2;
	(pc) =	sbr.rel .LBB2_1-.Ltmp0, $4  }
0x14: {  	s12 =	sadd.s32 $0x300, s12;
	s10 =	sadd.s32 s3, s11;
	p0 =	por p1, p3  }
0x15: {  	s11 =	sadd.s32 s3, s30;
	s13 =	sadd.s32 $0xFFFFFFFF, s17;
	p2 =	slt.u32 @!p0 s5, $0x3  }
0x16: {  	p4 =	seq.s32 @!p3 s17, $0x1;
	s17 =	simm.s32 $0x3;
	p2 =	por @!p3 p2, p1  }
0x17: {  	p1 =	por !p1, p3;
	p2 =	por p2, p3;
	p3 =	por p3, p4  }
.LBB2_4:
0x18: {  	[sflag:s23] =	ssyncadd.s32 @!p6 $0xFFFFA000  }
0x19: {  	[tilespmem:s25], [sflag:$0x1] =	stream.strided.gather @!p6 [hbm4b:s24+s26], $0x6000, s28, s26, $0x38;
	[tilespmem:$0xC000] =	vst v63  }
.LBB2_5:
0x1a: {  	s19 =	sadd.s32 $0x1, s19  }
0x1b: {  	_ =	swait.ge [sflag:s17], $0x6000;
	p4 =	sne.s32 s19, s8  }
.Ltmp1:
0x1c: {  	[sflag:s17] =	ssyncset.done $0x0;
	(pc) =	sbr.rel @!p4 .LBB2_6-.Ltmp1, $4  }
0x1d: {  	[sflag:s17] =	ssyncadd.s32 $0xFFFFA000  }
0x1e: {  	_ =	swait.ge [sflag:s18], $0x6000  }
0x1f: {  	[sflag:s18] =	ssyncset.done $0x0  }
0x20: {  	[sflag:s18] =	ssyncadd.s32 $0xFFFFA000  }
.LBB2_1:
0x21: {  	[tilespmem:s4], [sflag:$0x1] =	stream.strided.gather [hbm4b:s6+s15], $0x6000, s16, s15, $0x38;
	[tilespmem:$0xC000] =	vst v63  }
0x22: {  	s20 =	simm.s32 @!p1 $0x1  }
0x23: {  	_ =	swait.ge @!p1 [sflag:s20], $0x6000  }
0x24: {  	s21 =	simm.s32 @!p1 $0x7A1400;
	s22 =	simm.s32 @!p1 $0x0;
	[sflag:s20] =	ssyncset.done @!p1 $0x0  }
0x25: {  	s23 =	simm.s32 @!p0 $0x1;
	[sflag:s20] =	ssyncadd.s32 @!p1 $0xFFFFA000;
	s20 =	simm.s32 @!p1 $0xC00  }
0x26: {  	[hbm4b:s10+s20] =	stream.strided.scatter @!p1 [tilespmem:s22], [sflag:$0x3], $0x6000, s21, s20, $0x38;
	[tilespmem:$0xC000] =	vst v63  }
0x27: {  	s20 =	simm.s32 @!p0 $0xC00;
	s21 =	simm.s32 @!p0 $0x7A1400;
	s22 =	simm.s32 @!p0 $0x6000  }
0x28: {  	[tilespmem:s22], [sflag:$0x2] =	stream.strided.gather @!p0 [hbm4b:s9+s20], $0x6000, s21, s20, $0x38;
	[tilespmem:$0xC000] =	vst v63  }
0x29: {  	_ =	swait.ge @!p0 [sflag:s23], $0x6000  }
0x2a: {  	[sflag:s23] =	ssyncset.done @!p0 $0x0  }
0x2b: {  	[sflag:s23] =	ssyncadd.s32 @!p0 $0xFFFFA000;
	s23 =	simm.s32 @!p0 $0x0  }
0x2c: {  	[hbm4b:s10+s20] =	stream.strided.scatter @!p0 [tilespmem:s23], [sflag:$0x3], $0x6000, s21, s20, $0x38;
	[tilespmem:$0xC000] =	vst v63  }
0x2d: {  	s23 =	simm.s32 @!p0 $0x2  }
0x2e: {  	_ =	swait.ge @!p0 [sflag:s23], $0x6000  }
0x2f: {  	[sflag:s23] =	ssyncset.done @!p0 $0x0  }
0x30: {  	[sflag:s23] =	ssyncadd.s32 @!p0 $0xFFFFA000  }
0x31: {  	[hbm4b:s11+s20] =	stream.strided.scatter @!p0 [tilespmem:s22], [sflag:$0x4], $0x6000, s21, s20, $0x38;
	[tilespmem:$0xC000] =	vst v63  }
.Ltmp2:
0x32: {  	s20 =	simm.s32 @!p2 $0x3;
	(pc) =	sbr.rel @p3 .LBB2_5-.Ltmp2, $4  }
0x33: {  	_ =	swait.ge @!p2 [sflag:s20], $0x6000  }
0x34: {  	s21 =	simm.s32 @!p2 $0x7A1400;
	[sflag:s20] =	ssyncset.done @!p2 $0x0  }
0x35: {  	s22 =	simm.s32 @!p2 $0x0;
	[sflag:s20] =	ssyncadd.s32 @!p2 $0xFFFFA000;
	s20 =	simm.s32 @!p2 $0xC00  }
0x36: {  	[tilespmem:s22], [sflag:$0x1] =	stream.strided.gather @!p2 [hbm4b:s12+s20], $0x6000, s21, s20, $0x38;
	[tilespmem:$0xC000] =	vst v63  }
0x37: {  	p4 =	sle.s32 s5, $0x3  }
0x38: {  	s20 =	simm.s32 @!p4 $0x4  }
0x39: {  	s21 =	sadd.s32 @!p4 $0xFFFFF400, s14;
	s23 =	simm.s32 @!p4 $0x6000;
	_ =	swait.ge @!p4 [sflag:s20], $0x6000  }
0x3a: {  	s24 =	simm.s32 @!p4 $0xC00;
	s21 =	sshrl.u32 @!p4 s21, $0x3;
	[sflag:s20] =	ssyncset.done @!p4 $0x0  }
0x3b: {  	s25 =	simm.s32 @!p4 $0x7A1400;
	s22 =	sadd.s32 @!p4 s2, s21;
	[sflag:s20] =	ssyncadd.s32 @!p4 $0xFFFFA000  }
0x3c: {  	[tilespmem:s23], [sflag:$0x2] =	stream.strided.gather @!p4 [hbm4b:s22+s24], $0x6000, s25, s24, $0x38;
	[tilespmem:$0xC000] =	vst v63  }
0x3d: {  	s31 =	sadd.s32 $0xFFFFE800, s14;
	_ =	swait.ge [sflag:s7], $0x6000  }
0x3e: {  	s20 =	sshrl.u32 s31, $0x3;
	[sflag:s7] =	ssyncset.done $0x0  }
0x3f: {  	s20 =	sadd.s32 s3, s20;
	s22 =	simm.s32 @!p4 $0x2;
	[sflag:s7] =	ssyncadd.s32 $0xFFFFA000  }
0x40: {  	[hbm4b:s20+s15] =	stream.strided.scatter [tilespmem:s4], [sflag:$0x3], $0x6000, s16, s15, $0x38;
	[tilespmem:$0xC000] =	vst v63  }
0x41: {  	p6 =	sle.s32 s5, $0x4;
	s20 =	sadd.s32 $0xFFFFFFFF, s13;
	_ =	swait.ge @!p4 [sflag:s22], $0x6000  }
0x42: {  	s28 =	simm.s32 @!p6 $0x7A1400;
	p5 =	sne.s32 s20, $0x0;
	[sflag:s22] =	ssyncset.done @!p4 $0x0  }
.Ltmp3:
0x43: {  	s26 =	sadd.s32 @!p4 s3, s21;
	[sflag:s22] =	ssyncadd.s32 @!p4 $0xFFFFA000;
	(pc) =	sbr.rel @!p5 .LBB2_4-.Ltmp3, $4  }
0x44: {  	[hbm4b:s26+s24] =	stream.strided.scatter @!p4 [tilespmem:s23], [sflag:$0x4], $0x6000, s25, s24, $0x38;
	[tilespmem:$0xC000] =	vst v63  }
0x45: {  	s21 =	sadd.s32 $0x1800, s14;
	s22 =	simm.s32 $0x5;
	s23 =	simm.s32 @!p6 $0x3  }
0x46: {  	s24 =	sshrl.u32 @!p6 s14, $0x3;
	s25 =	simm.s32 @!p6 $0x0;
	_ =	swait.ge @!p6 [sflag:s23], $0x6000  }
0x47: {  	s26 =	simm.s32 @!p6 $0xC00;
	s24 =	sadd.s32 @!p6 s2, s24;
	[sflag:s23] =	ssyncset.done @!p6 $0x0  }
.LBB2_3:
0x48: {  	p5 =	sge.s32 s22, s5;
	s20 =	sadd.s32 $0xFFFFFFFF, s20;
	[sflag:s23] =	ssyncadd.s32 @!p6 $0xFFFFA000  }
0x49: {  	[tilespmem:s25], [sflag:$0x1] =	stream.strided.gather @!p6 [hbm4b:s24+s26], $0x6000, s28, s26, $0x38;
	[tilespmem:$0xC000] =	vst v63  }
0x4a: {  	s23 =	simm.s32 @!p5 $0x4;
	s24 =	sadd.s32 @!p5 $0xFFFFF400, s21;
	p4 =	sne.s32 s20, $0x0  }
0x4b: {  	s25 =	smov.u32 s21;
	s24 =	sshrl.u32 @!p5 s24, $0x3;
	_ =	swait.ge @!p5 [sflag:s23], $0x6000  }
0x4c: {  	s28 =	simm.s32 @!p5 $0x6000;
	s26 =	sadd.s32 @!p5 s2, s24;
	[sflag:s23] =	ssyncset.done @!p5 $0x0  }
0x4d: {  	s29 =	simm.s32 @!p5 $0x7A1400;
	[sflag:s23] =	ssyncadd.s32 @!p5 $0xFFFFA000;
	s23 =	simm.s32 @!p5 $0xC00  }
0x4e: {  	[tilespmem:s28], [sflag:$0x2] =	stream.strided.gather @!p5 [hbm4b:s26+s23], $0x6000, s29, s23, $0x38;
	[tilespmem:$0xC000] =	vst v63  }
0x4f: {  	s24 =	sadd.s32 @!p5 s3, s24;
	s26 =	sadd.s32 $0xFFFFE800, s21;
	_ =	swait.ge [sflag:s7], $0x6000  }
0x50: {  	s26 =	sshrl.u32 s26, $0x3;
	[sflag:s7] =	ssyncset.done $0x0  }
0x51: {  	s30 =	simm.s32 @!p5 $0x2;
	s26 =	sadd.s32 s3, s26;
	[sflag:s7] =	ssyncadd.s32 $0xFFFFA000  }
0x52: {  	[hbm4b:s26+s15] =	stream.strided.scatter [tilespmem:s4], [sflag:$0x3], $0x6000, s16, s15, $0x38;
	[tilespmem:$0xC000] =	vst v63  }
0x53: {  	_ =	swait.ge @!p5 [sflag:s30], $0x6000  }
0x54: {  	s21 =	sadd.s32 $0x1800, s21;
	s26 =	sadd.s32 $0x1, s22;
	[sflag:s30] =	ssyncset.done @!p5 $0x0  }
.Ltmp4:
0x55: {  	p6 =	sge.s32 s26, s5;
	[sflag:s30] =	ssyncadd.s32 @!p5 $0xFFFFA000;
	(pc) =	sbr.rel @p4 .LBB2_3-.Ltmp4, $4  }
0x56: {  	[hbm4b:s24+s23] =	stream.strided.scatter @!p5 [tilespmem:s28], [sflag:$0x4], $0x6000, s29, s23, $0x38;
	[tilespmem:$0xC000] =	vst v63  }
0x57: {  	s22 =	sadd.s32 $0x2, s22;
	s23 =	simm.s32 @!p6 $0x3;
	s24 =	sshrl.u32 @!p6 s25, $0x3  }
0x58: {  	s25 =	simm.s32 @!p6 $0x0;
	s24 =	sadd.s32 @!p6 s2, s24;
	_ =	swait.ge @!p6 [sflag:s23], $0x6000  }
0x59: {  	s26 =	simm.s32 @!p6 $0xC00;
	s28 =	simm.s32 @!p6 $0x7A1400;
	[sflag:s23] =	ssyncset.done @!p6 $0x0  }
.Ltmp5:
0x5a: {  	_ = 	snop;
	(pc) =	sbr.rel .LBB2_4-.Ltmp5, $1  }
0x5b: {  	_ =	sdelay $0x3  }
.LBB2_6:
0x5c: {  	_ =	sfence.sel $0x180000  }
0x5d: {  	[bflag:$0x0] =	sbarrier.arrive $0xFFFF  }
0x5e: {  	p0 =	sne.s32 s0, $0x0;
	_ =	strace $0x90000047  }
0x5f: {  	s0 =	sadd.s32 @!p0 $0x100000, s1;
	[bflag:$0x2] =	sbarrier.arrive $0xFFFF  }
0x60: {  	[sflag:s0] =	ssyncadd.tile.s32 @!p0 $0x1;
	_ =	shalt  }
.Lfunc_end2:
_tile_overlayer_lowered:
.L_overlay_start_2:
0x61: {  	(tag) =	ssettag $0x2  }
0x62: {  	s0 =	rddreg [dreg:$0x0];
	s2 =	stileid.u32  }
0x63: {  	s1 =	rddreg [dreg:$0x1];
	p0 =	sne.s32 s2, $0x0  }
0x64: {  	s3 =	rddreg [dreg:$0x2];
	[bflag:$0x3] =	sbarrier.arrive $0xFFFF;
	s2 =	simm.s32 @!p0 $0x1C05  }
0x65: {  	[timem:s3], [sflag:s2] =	dma.local @!p0 [hbm:s0], s1  }
0x66: {  	s0 =	simm.s32 @!p0 $0x5  }
0x67: {  	_ =	swait.ge @!p0 [sflag:s0], s1  }
0x68: {  	s1 =	ssub.s32 @!p0 $0x0, s1;
	[sflag:s0] =	ssyncset.done @!p0 $0x0  }
0x69: {  	[sflag:s0] =	ssyncadd.s32 @!p0 s1  }
0x6a: {  	[bflag:$0x3] =	sbarrier.arrive $0xFFFF  }
0x6b: {  	_ =	shalt  }

</sc_bundles>
